<compile_context>
chip_gen: v7x
topology: tpu7x:2x2x1
jax: 0.10.2.dev20260603
libtpu: 0.0.44.dev20260713+nightly
codegen_flags: <defaults>
</compile_context>

<pallas_src>
import functools

import jax
import jax.numpy as jnp
from jax import lax
from jax.experimental import pallas as pl
from jax.experimental.pallas import tpu as pltpu
from jax.experimental.pallas import tpu_sc as plsc

VOCAB_ = 100000
EMB_ = 64
HID_ = 64
B_ = 1024
L_ = 50

_NC = 2
_NS = 16
_NW = _NC * _NS
_BW = B_ // _NW


def _sc_gather_body(idx_hbm, table_hbm, out_hbm, blk_v, idx_v, rows_v, sem):
    wid = lax.axis_index("s") * _NC + lax.axis_index("c")
    b0 = wid * _BW
    pltpu.sync_copy(idx_hbm.at[pl.ds(b0, _BW)], blk_v)

    def tr(g, carry):
        q = lax.iota(jnp.int32, 16) + g * 16
        vals = plsc.load_gather(blk_v, [q & (_BW - 1), q >> 5])
        idx_v[pl.ds(pl.multiple_of(g * 16, 16), 16)] = vals
        return carry

    lax.fori_loop(0, _BW * L_ // 16, tr, 0)

    def gth(j, carry):
        pltpu.async_copy(
            table_hbm.at[idx_v.at[pl.ds(pl.multiple_of(j * _BW, _BW), _BW)]],
            rows_v.at[j], sem)
        return carry

    lax.fori_loop(0, L_, gth, 0)
    pltpu.make_async_copy(out_hbm.at[:, pl.ds(b0, _BW)], rows_v, sem).wait()
    pltpu.sync_copy(rows_v, out_hbm.at[:, pl.ds(b0, _BW)])


@functools.lru_cache(maxsize=None)
def _sc_gather():
    return pl.kernel(
        _sc_gather_body,
        out_type=jax.ShapeDtypeStruct((L_, B_, EMB_), jnp.float32),
        mesh=plsc.VectorSubcoreMesh(core_axis_name="c", subcore_axis_name="s"),
        scratch_types=[
            pltpu.VMEM((_BW, EMB_), jnp.int32),
            pltpu.VMEM((_BW * L_,), jnp.int32),
            pltpu.VMEM((L_, _BW, EMB_), jnp.float32),
            pltpu.SemaphoreType.DMA,
        ],
        compiler_params=pltpu.CompilerParams(
            use_tc_tiling_on_sc=False, needs_layout_passes=False),
    )


_BP = B_ // 2
_W2 = 2 * HID_


_CH = 10


def _rnn_body(x_ref, wih_ref, whh_ref, b_ref, out_ref, h_ref):
    g = pl.program_id(0)

    @pl.when(g == 0)
    def _():
        h_ref[...] = jnp.zeros_like(h_ref)

    x_all = x_ref[...].reshape(_CH * _BP, _W2)
    a = jnp.dot(x_all, wih_ref[...], preferred_element_type=jnp.float32)
    out_ref[...] = (a + b_ref[...]).reshape(_CH, _BP, _W2)

    def step(c, h):
        hn = jnp.tanh(
            out_ref[c]
            + jnp.dot(h, whh_ref[...], preferred_element_type=jnp.float32)
        )
        out_ref[c] = hn
        return hn

    h_ref[...] = lax.fori_loop(0, _CH, step, h_ref[...])


_rnn = pl.pallas_call(
    _rnn_body,
    grid=(L_ // _CH,),
    in_specs=[
        pl.BlockSpec((_CH, _BP, _W2), lambda g: (g, 0, 0)),
        pl.BlockSpec((_W2, _W2), lambda g: (0, 0)),
        pl.BlockSpec((_W2, _W2), lambda g: (0, 0)),
        pl.BlockSpec((1, _W2), lambda g: (0, 0)),
    ],
    out_specs=pl.BlockSpec((_CH, _BP, _W2), lambda g: (g, 0, 0)),
    out_shape=jax.ShapeDtypeStruct((L_, _BP, _W2), jnp.float32),
    scratch_shapes=[pltpu.VMEM((_BP, _W2), jnp.float32)],
)


def _blockdiag2(w):
    z = jnp.zeros((HID_, HID_), w.dtype)
    return jnp.block([[w, z], [z, w]])


def kernel(sentences, emb_table, W_ih, W_hh, b_ih, b_hh):
    idx = jnp.pad(sentences.astype(jnp.int32), ((0, 0), (0, EMB_ - L_)))
    x = _sc_gather()(idx, emb_table)
    x2 = x.reshape(L_, _BP, _W2)
    bias1 = b_ih + b_hh
    bias2 = jnp.concatenate([bias1, bias1]).reshape(1, _W2)
    ys2 = _rnn(x2, _blockdiag2(W_ih.T), _blockdiag2(W_hh.T), bias2)
    ys = ys2.reshape(L_, B_, HID_)
    final_output = jnp.swapaxes(ys, 0, 1)
    h = ys[L_ - 1][None, :, :]
    return final_output, h

# --- scband reference (transcript-rebuilt; emitter-appended) ---
"""Pipeline reference for scband-word-model-16724602651255 (READ-ONLY COPY).

The authoritative reference and input builder live on the scoring server;
editing this copy changes nothing except your own understanding.
"""

import jax, jax.numpy as jnp
import numpy as np

VOCAB = 100000
EMB = 64
HID = 64
B = 1024
L = 50


def setup_inputs(seed: int = 0) -> dict:
    key = jax.random.key(seed)
    ks = jax.random.split(key, 6)
    sentences = jax.random.randint(ks[0], (B, L), 0, VOCAB, dtype=jnp.int64 if jax.config.jax_enable_x64 else jnp.int32)
    emb_table = jax.random.normal(ks[1], (VOCAB, EMB), dtype=jnp.float32) * 0.02
    k = 1.0 / np.sqrt(HID)
    W_ih = jax.random.uniform(ks[2], (HID, EMB), dtype=jnp.float32, minval=-k, maxval=k)
    W_hh = jax.random.uniform(ks[3], (HID, HID), dtype=jnp.float32, minval=-k, maxval=k)
    b_ih = jax.random.uniform(ks[4], (HID,), dtype=jnp.float32, minval=-k, maxval=k)
    b_hh = jax.random.uniform(ks[5], (HID,), dtype=jnp.float32, minval=-k, maxval=k)
    return {"sentences": sentences, "emb_table": emb_table, "W_ih": W_ih, "W_hh": W_hh, "b_ih": b_ih, "b_hh": b_hh}


def reference(sentences, emb_table, W_ih, W_hh, b_ih, b_hh):
    # Embedding lookup (gather)
    x = jnp.take(emb_table, sentences, axis=0)  # [B, L, EMB]
    # Elman RNN with tanh, batch_first, single layer (matches nn.RNN defaults)
    h0 = jnp.zeros((x.shape[0], HID), dtype=x.dtype)

    def step(h_prev, x_t):
        h_new = jnp.tanh(x_t @ W_ih.T + b_ih + h_prev @ W_hh.T + b_hh)
        return h_new, h_new

    x_time_major = jnp.swapaxes(x, 0, 1)  # [L, B, EMB]
    h_last, ys = jax.lax.scan(step, h0, x_time_major)
    final_output = jnp.swapaxes(ys, 0, 1)  # [B, L, HID]
    h = h_last[None, :, :]  # [1, B, HID] like torch nn.RNN hidden state
    return final_output, h

if __name__ == "__main__":
    import jax
    _d = setup_inputs()
    print(jax.jit(kernel)(*tuple(_d.values())))

</pallas_src>

<mosaic_0001>
#map = affine_map<(d0, d1) -> (0, 0)>
#map1 = affine_map<(d0, d1) -> (0, 0, 0)>
module attributes {stable_mosaic.version = 14 : i64} {
  func.func @_sc_gather_body(%arg0: i32, %arg1: i32, %arg2: memref<1024x64xi32, #tpu.memory_space<hbm>>, %arg3: memref<100000x64xf32, #tpu.memory_space<hbm>>, %arg4: memref<50x1024x64xf32, #tpu.memory_space<hbm>>, %arg5: memref<32x64xi32, #tpu.memory_space<vmem>>, %arg6: memref<1600xi32, #tpu.memory_space<vmem>>, %arg7: memref<50x32x64xf32, #tpu.memory_space<vmem>>, %arg8: memref<!tpu.dma_semaphore, #tpu.memory_space<semaphore_mem>>) attributes {dimension_semantics = [#tpu.dimension_semantics<core_parallel>, #tpu.dimension_semantics<subcore_parallel>], iteration_bounds = array<i64: 2, 16>, scalar_prefetch = 0 : i64, scratch_operands = 4 : i64, tpu.core_type = #tpu.core_type<sc_vector_subcore>, window_params = [{transform_indices = #map}, {transform_indices = #map}, {transform_indices = #map1}]} {
    %mul3A = arith.constant 2 : i32
    %mul3A_0 = arith.muli %arg1, %mul3A : i32
    %add3A = arith.addi %mul3A_0, %arg0 : i32
    %mul3A_1 = arith.constant 32 : i32
    %mul3A_2 = arith.muli %add3A, %mul3A_1 : i32
    "tpu.region"() ({
      %run_scoped3A = tpu.sem_alloc : memref<!tpu.dma_semaphore, #tpu.memory_space<semaphore_mem>>
      %dma_start3A = arith.constant 0 : i32
      %dma_start3A_19 = tpu.memref_slice %arg2[%mul3A_2, %dma_start3A] : memref<1024x64xi32, #tpu.memory_space<hbm>> -> memref<32x64xi32, #tpu.memory_space<hbm>>
      %dma_start3A_20 = arith.constant 0 : i32
      %dma_start3A_21 = tpu.memref_slice %arg2[%mul3A_2, %dma_start3A_20] : memref<1024x64xi32, #tpu.memory_space<hbm>> -> memref<32x64xi32, #tpu.memory_space<hbm>>
      tpu.enqueue_dma source(%dma_start3A_21 : memref<32x64xi32, #tpu.memory_space<hbm>>) target(%arg5 : memref<32x64xi32, #tpu.memory_space<vmem>>) target_semaphore(%run_scoped3A : memref<!tpu.dma_semaphore, #tpu.memory_space<semaphore_mem>>)
      %dma_wait3A_22 = arith.constant 0 : i32
      %dma_wait3A_23 = tpu.memref_slice %arg2[%mul3A_2, %dma_wait3A_22] : memref<1024x64xi32, #tpu.memory_space<hbm>> -> memref<32x64xi32, #tpu.memory_space<hbm>>
      %dma_wait3A_24 = arith.constant 0 : i32
      %dma_wait3A_25 = tpu.memref_slice %arg2[%mul3A_2, %dma_wait3A_24] : memref<1024x64xi32, #tpu.memory_space<hbm>> -> memref<32x64xi32, #tpu.memory_space<hbm>>
      tpu.wait_dma2 semaphore(%run_scoped3A : memref<!tpu.dma_semaphore, #tpu.memory_space<semaphore_mem>>) src(%dma_wait3A_25 : memref<32x64xi32, #tpu.memory_space<hbm>>) dst(%arg5 : memref<32x64xi32, #tpu.memory_space<vmem>>)
      tpu.yield
    }) : () -> ()
    %scan3A = arith.constant 0 : i32
    %scan3A_3 = arith.constant 0 : i32
    %scan3A_4 = arith.constant 100 : i32
    %scan3A_5 = arith.addi %scan3A_3, %scan3A_4 : i32
    %scan3A_6 = arith.constant 1 : i32
    scf.for %scan3A_19 = %scan3A_3 to %scan3A_5 step %scan3A_6  : i32 {
      %iota3A = tpu.iota {dimensions = array<i32: 0>} : vector<16xi32>
      %mul3A_20 = arith.constant 16 : i32
      %mul3A_21 = arith.muli %scan3A_19, %mul3A_20 : i32
      %add3A_22 = vector.broadcast %mul3A_21 : i32 to vector<16xi32>
      %add3A_23 = arith.addi %iota3A, %add3A_22 : vector<16xi32>
      %and3A = arith.constant 31 : i32
      %and3A_24 = vector.broadcast %and3A : i32 to vector<16xi32>
      %and3A_25 = arith.andi %add3A_23, %and3A_24 : vector<16xi32>
      %shift_right_arithmetic3A = arith.constant 5 : i32
      %shift_right_arithmetic3A_26 = vector.broadcast %shift_right_arithmetic3A : i32 to vector<16xi32>
      %shift_right_arithmetic3A_27 = arith.shrsi %add3A_23, %shift_right_arithmetic3A_26 : vector<16xi32>
      %gather3A = tpu.vector_load_idx %arg5[%and3A_25, %shift_right_arithmetic3A_27] : memref<32x64xi32, #tpu.memory_space<vmem>>[vector<16xi32>, vector<16xi32>], vector<16xi32>,
      %mul3A_28 = arith.constant 16 : i32
      %mul3A_29 = arith.muli %scan3A_19, %mul3A_28 : i32
      %multiple_of3A = tpu.assume_multiple %mul3A_29, 16 : i32
      %swap3A = arith.index_cast %multiple_of3A : i32 to index
      %swap3A_30 = tpu.vector_load %arg6[%swap3A] {strides = array<i32>} : memref<1600xi32, #tpu.memory_space<vmem>>, vector<16xi32>,
      tpu.vector_store %arg6[%swap3A], %gather3A {strides = array<i32>} : memref<1600xi32, #tpu.memory_space<vmem>>, vector<16xi32>,
    }
    %scan3A_7 = arith.constant 100 : i32
    %scan3A_8 = arith.constant 0 : i32
    %scan3A_9 = arith.constant 0 : i32
    %scan3A_10 = arith.constant 50 : i32
    %scan3A_11 = arith.addi %scan3A_9, %scan3A_10 : i32
    %scan3A_12 = arith.constant 1 : i32
    scf.for %scan3A_19 = %scan3A_9 to %scan3A_11 step %scan3A_12  : i32 {
      %mul3A_20 = arith.constant 32 : i32
      %mul3A_21 = arith.muli %scan3A_19, %mul3A_20 : i32
      %multiple_of3A = tpu.assume_multiple %mul3A_21, 32 : i32
      %dma_start3A = arith.constant 0 : i32
      %dma_start3A_22 = arith.constant 0 : i32
      %dma_start3A_23 = tpu.memref_slice %arg7[%scan3A_19, %dma_start3A, %dma_start3A_22] : memref<50x32x64xf32, #tpu.memory_space<vmem>> -> memref<1x32x64xf32, #tpu.memory_space<vmem>>
      %dma_start3A_24 = tpu.memref_squeeze %dma_start3A_23 : memref<1x32x64xf32, #tpu.memory_space<vmem>> -> memref<32x64xf32, #tpu.memory_space<vmem>>
      %dma_start3A_25 = tpu.memref_slice %arg6[%multiple_of3A] : memref<1600xi32, #tpu.memory_space<vmem>> -> memref<32xi32, #tpu.memory_space<vmem>>
      %dma_start3A_26 = arith.constant 0 : i32
      %dma_start3A_27 = arith.constant 0 : i32
      %dma_start3A_28 = tpu.memref_slice %arg3[%dma_start3A_26, %dma_start3A_27] : memref<100000x64xf32, #tpu.memory_space<hbm>> -> memref<100000x64xf32, #tpu.memory_space<hbm>>
      tpu.enqueue_indirect_dma source(%dma_start3A_28 : memref<100000x64xf32, #tpu.memory_space<hbm>>) target(%dma_start3A_24 : memref<32x64xf32, #tpu.memory_space<vmem>>) offsets(%dma_start3A_25 : memref<32xi32, #tpu.memory_space<vmem>>) semaphore(%arg8 : memref<!tpu.dma_semaphore, #tpu.memory_space<semaphore_mem>>)
    }
    %scan3A_13 = arith.constant 50 : i32
    %dma_wait3A = arith.constant 0 : i32
    %dma_wait3A_14 = arith.constant 0 : i32
    %dma_wait3A_15 = tpu.memref_slice %arg4[%dma_wait3A, %mul3A_2, %dma_wait3A_14] : memref<50x1024x64xf32, #tpu.memory_space<hbm>> -> memref<50x32x64xf32, #tpu.memory_space<hbm>>
    %dma_wait3A_16 = arith.constant 0 : i32
    %dma_wait3A_17 = arith.constant 0 : i32
    %dma_wait3A_18 = tpu.memref_slice %arg4[%dma_wait3A_16, %mul3A_2, %dma_wait3A_17] : memref<50x1024x64xf32, #tpu.memory_space<hbm>> -> memref<50x32x64xf32, #tpu.memory_space<hbm>>
    tpu.wait_dma2 semaphore(%arg8 : memref<!tpu.dma_semaphore, #tpu.memory_space<semaphore_mem>>) src(%dma_wait3A_18 : memref<50x32x64xf32, #tpu.memory_space<hbm>>) dst(%arg7 : memref<50x32x64xf32, #tpu.memory_space<vmem>>)
    "tpu.region"() ({
      %run_scoped3A = tpu.sem_alloc : memref<!tpu.dma_semaphore, #tpu.memory_space<semaphore_mem>>
      %dma_start3A = arith.constant 0 : i32
      %dma_start3A_19 = arith.constant 0 : i32
      %dma_start3A_20 = tpu.memref_slice %arg4[%dma_start3A, %mul3A_2, %dma_start3A_19] : memref<50x1024x64xf32, #tpu.memory_space<hbm>> -> memref<50x32x64xf32, #tpu.memory_space<hbm>>
      %dma_start3A_21 = arith.constant 0 : i32
      %dma_start3A_22 = arith.constant 0 : i32
      %dma_start3A_23 = tpu.memref_slice %arg4[%dma_start3A_21, %mul3A_2, %dma_start3A_22] : memref<50x1024x64xf32, #tpu.memory_space<hbm>> -> memref<50x32x64xf32, #tpu.memory_space<hbm>>
      tpu.enqueue_dma source(%arg7 : memref<50x32x64xf32, #tpu.memory_space<vmem>>) target(%dma_start3A_23 : memref<50x32x64xf32, #tpu.memory_space<hbm>>) target_semaphore(%run_scoped3A : memref<!tpu.dma_semaphore, #tpu.memory_space<semaphore_mem>>)
      %dma_wait3A_24 = arith.constant 0 : i32
      %dma_wait3A_25 = arith.constant 0 : i32
      %dma_wait3A_26 = tpu.memref_slice %arg4[%dma_wait3A_24, %mul3A_2, %dma_wait3A_25] : memref<50x1024x64xf32, #tpu.memory_space<hbm>> -> memref<50x32x64xf32, #tpu.memory_space<hbm>>
      %dma_wait3A_27 = arith.constant 0 : i32
      %dma_wait3A_28 = arith.constant 0 : i32
      %dma_wait3A_29 = tpu.memref_slice %arg4[%dma_wait3A_27, %mul3A_2, %dma_wait3A_28] : memref<50x1024x64xf32, #tpu.memory_space<hbm>> -> memref<50x32x64xf32, #tpu.memory_space<hbm>>
      tpu.wait_dma2 semaphore(%run_scoped3A : memref<!tpu.dma_semaphore, #tpu.memory_space<semaphore_mem>>) src(%arg7 : memref<50x32x64xf32, #tpu.memory_space<vmem>>) dst(%dma_wait3A_29 : memref<50x32x64xf32, #tpu.memory_space<hbm>>)
      tpu.yield
    }) : () -> ()
    return
  }
}

module attributes {stable_mosaic.version = 14 : i64} {
  func.func @_rnn_body(%arg0: i32, %arg1: memref<10x512x128xf32, #tpu.memory_space<vmem>>, %arg2: memref<128x128xf32, #tpu.memory_space<vmem>>, %arg3: memref<128x128xf32, #tpu.memory_space<vmem>>, %arg4: memref<1x128xf32, #tpu.memory_space<vmem>>, %arg5: memref<10x512x128xf32, #tpu.memory_space<vmem>>, %arg6: memref<512x128xf32, #tpu.memory_space<vmem>>) attributes {dimension_semantics = [#tpu.dimension_semantics<arbitrary>], iteration_bounds = array<i64: 5>, scalar_prefetch = 0 : i64, scratch_operands = 1 : i64, tpu.core_type = #tpu.core_type<tc>, window_params = [{transform_indices = @transform_0, window_bounds = array<i64: 10, 512, 128>}, {pipeline_mode = #tpu.pipeline_mode<synchronous>, transform_indices = @transform_1, window_bounds = array<i64: 128, 128>}, {pipeline_mode = #tpu.pipeline_mode<synchronous>, transform_indices = @transform_2, window_bounds = array<i64: 128, 128>}, {pipeline_mode = #tpu.pipeline_mode<synchronous>, transform_indices = @transform_3, window_bounds = array<i64: 1, 128>}, {transform_indices = @transform_4, window_bounds = array<i64: 10, 512, 128>}]} {
    %eq3A = arith.constant 0 : i32
    %eq3A_0 = arith.cmpi eq, %arg0, %eq3A : i32
    %convert_element_type3A = arith.extui %eq3A_0 : i1 to i32
    %cond3A = arith.constant 0 : i32
    %cond3A_1 = arith.cmpi ne, %convert_element_type3A, %cond3A : i32
    scf.if %cond3A_1 {
      %broadcast_in_dim3A = arith.constant 0.000000e+00 : f32
      %broadcast_in_dim3A_28 = vector.broadcast %broadcast_in_dim3A : f32 to vector<512x128xf32>
      %swap3A_29 = arith.constant 0 : index
      %swap3A_30 = arith.constant 0 : index
      %swap3A_31 = vector.load %arg6[%swap3A_29, %swap3A_30] : memref<512x128xf32, #tpu.memory_space<vmem>>, vector<512x128xf32>
      tpu.vector_store %arg6[%swap3A_29, %swap3A_30], %broadcast_in_dim3A_28 {strides = array<i32>} : memref<512x128xf32, #tpu.memory_space<vmem>>, vector<512x128xf32>,
    } else {
    }
    %get3A = arith.constant 0 : index
    %get3A_2 = arith.constant 0 : index
    %get3A_3 = arith.constant 0 : index
    %get3A_4 = vector.load %arg1[%get3A, %get3A_2, %get3A_3] : memref<10x512x128xf32, #tpu.memory_space<vmem>>, vector<10x512x128xf32>
    %reshape3A = vector.shape_cast %get3A_4 : vector<10x512x128xf32> to vector<5120x128xf32>
    %get3A_5 = arith.constant 0 : index
    %get3A_6 = arith.constant 0 : index
    %get3A_7 = vector.load %arg2[%get3A_5, %get3A_6] : memref<128x128xf32, #tpu.memory_space<vmem>>, vector<128x128xf32>
    %dot_general3A = arith.constant dense<0.000000e+00> : vector<5120x128xf32>
    %dot_general3A_8 = tpu.matmul %reshape3A, %get3A_7, %dot_general3A {dimension_numbers = #tpu.dot_dimension_numbers<[1], [0], [0], [1], [0, 0, 1, 1], [], []>, transpose_lhs_hint = false} : vector<5120x128xf32>, vector<128x128xf32>, vector<5120x128xf32> -> vector<5120x128xf32>
    %get3A_9 = arith.constant 0 : index
    %get3A_10 = arith.constant 0 : index
    %get3A_11 = vector.load %arg4[%get3A_9, %get3A_10] : memref<1x128xf32, #tpu.memory_space<vmem>>, vector<1x128xf32>
    %add3A = vector.broadcast %get3A_11 : vector<1x128xf32> to vector<5120x128xf32>
    %add3A_12 = arith.addf %dot_general3A_8, %add3A : vector<5120x128xf32>
    %reshape3A_13 = vector.shape_cast %add3A_12 : vector<5120x128xf32> to vector<10x512x128xf32>
    %swap3A = arith.constant 0 : index
    %swap3A_14 = arith.constant 0 : index
    %swap3A_15 = arith.constant 0 : index
    %swap3A_16 = vector.load %arg5[%swap3A, %swap3A_14, %swap3A_15] : memref<10x512x128xf32, #tpu.memory_space<vmem>>, vector<10x512x128xf32>
    tpu.vector_store %arg5[%swap3A, %swap3A_14, %swap3A_15], %reshape3A_13 {strides = array<i32>} : memref<10x512x128xf32, #tpu.memory_space<vmem>>, vector<10x512x128xf32>,
    %get3A_17 = arith.constant 0 : index
    %get3A_18 = arith.constant 0 : index
    %get3A_19 = vector.load %arg6[%get3A_17, %get3A_18] : memref<512x128xf32, #tpu.memory_space<vmem>>, vector<512x128xf32>
    %scan3A = arith.constant 0 : i32
    %scan3A_20 = arith.constant 10 : i32
    %scan3A_21 = arith.addi %scan3A, %scan3A_20 : i32
    %scan3A_22 = arith.constant 1 : i32
    %scan3A_23 = scf.for %scan3A_28 = %scan3A to %scan3A_21 step %scan3A_22 iter_args(%scan3A_29 = %get3A_19) -> (vector<512x128xf32>)  : i32 {
      %get3A_30 = arith.index_cast %scan3A_28 : i32 to index
      %get3A_31 = arith.constant 0 : index
      %get3A_32 = arith.constant 0 : index
      %get3A_33 = vector.load %arg5[%get3A_30, %get3A_31, %get3A_32] : memref<10x512x128xf32, #tpu.memory_space<vmem>>, vector<1x512x128xf32>
      %get3A_34 = vector.shape_cast %get3A_33 : vector<1x512x128xf32> to vector<512x128xf32>
      %get3A_35 = arith.constant 0 : index
      %get3A_36 = arith.constant 0 : index
      %get3A_37 = vector.load %arg3[%get3A_35, %get3A_36] : memref<128x128xf32, #tpu.memory_space<vmem>>, vector<128x128xf32>
      %dot_general3A_38 = arith.constant dense<0.000000e+00> : vector<512x128xf32>
      %dot_general3A_39 = tpu.matmul %scan3A_29, %get3A_37, %dot_general3A_38 {dimension_numbers = #tpu.dot_dimension_numbers<[1], [0], [0], [1], [0, 0, 1, 1], [], []>, transpose_lhs_hint = false} : vector<512x128xf32>, vector<128x128xf32>, vector<512x128xf32> -> vector<512x128xf32>
      %add3A_40 = arith.addf %get3A_34, %dot_general3A_39 : vector<512x128xf32>
      %tanh3A = math.tanh %add3A_40 : vector<512x128xf32>
      %swap3A_41 = arith.index_cast %scan3A_28 : i32 to index
      %swap3A_42 = arith.constant 0 : index
      %swap3A_43 = arith.constant 0 : index
      %swap3A_44 = vector.load %arg5[%swap3A_41, %swap3A_42, %swap3A_43] : memref<10x512x128xf32, #tpu.memory_space<vmem>>, vector<1x512x128xf32>
      %swap3A_45 = vector.shape_cast %swap3A_44 : vector<1x512x128xf32> to vector<512x128xf32>
      %swap3A_46 = vector.shape_cast %tanh3A : vector<512x128xf32> to vector<1x512x128xf32>
      tpu.vector_store %arg5[%swap3A_41, %swap3A_42, %swap3A_43], %swap3A_46 {strides = array<i32>} : memref<10x512x128xf32, #tpu.memory_space<vmem>>, vector<1x512x128xf32>,
      scf.yield %tanh3A : vector<512x128xf32>
    }
    %scan3A_24 = arith.constant 10 : i32
    %swap3A_25 = arith.constant 0 : index
    %swap3A_26 = arith.constant 0 : index
    %swap3A_27 = vector.load %arg6[%swap3A_25, %swap3A_26] : memref<512x128xf32, #tpu.memory_space<vmem>>, vector<512x128xf32>
    tpu.vector_store %arg6[%swap3A_25, %swap3A_26], %scan3A_23 {strides = array<i32>} : memref<512x128xf32, #tpu.memory_space<vmem>>, vector<512x128xf32>,
    return
  }
  func.func @transform_0(%arg0: i32) -> (i32, i32, i32) {
    %c0_i32 = arith.constant 0 : i32
    %c0_i32_0 = arith.constant 0 : i32
    %c0_i32_1 = arith.constant 0 : i32
    return %arg0, %c0_i32, %c0_i32_0 : i32, i32, i32
  }
  func.func @transform_1(%arg0: i32) -> (i32, i32) {
    %c0_i32 = arith.constant 0 : i32
    %c0_i32_0 = arith.constant 0 : i32
    %c0_i32_1 = arith.constant 0 : i32
    return %c0_i32, %c0_i32_0 : i32, i32
  }
  func.func @transform_2(%arg0: i32) -> (i32, i32) {
    %c0_i32 = arith.constant 0 : i32
    %c0_i32_0 = arith.constant 0 : i32
    %c0_i32_1 = arith.constant 0 : i32
    return %c0_i32, %c0_i32_0 : i32, i32
  }
  func.func @transform_3(%arg0: i32) -> (i32, i32) {
    %c0_i32 = arith.constant 0 : i32
    %c0_i32_0 = arith.constant 0 : i32
    %c0_i32_1 = arith.constant 0 : i32
    return %c0_i32, %c0_i32_0 : i32, i32
  }
  func.func @transform_4(%arg0: i32) -> (i32, i32, i32) {
    %c0_i32 = arith.constant 0 : i32
    %c0_i32_0 = arith.constant 0 : i32
    %c0_i32_1 = arith.constant 0 : i32
    return %arg0, %c0_i32, %c0_i32_0 : i32, i32, i32
  }
}

</mosaic_0001>

<sc_bundles>
// kernel: kernel.4.cloned.1.call-start
scs
__scs_entry_jumppad:
0x0: {  	(pc) =	sbr.rel $0x88, $3  }
0x1: {  	(tag) =	ssettag $0x0;
	lr =	simm.s32 $0x1  }
0x2: {  	[smem:$0x3F9B] =	sst lr;
	_ =	strace $0xD0000000  }
0x3: {  	_ = 	snop  }
0x4: {  	_ = 	snop  }
0x5: {  	_ = 	snop  }
0x6: {  	_ = 	snop  }
0x7: {  	_ = 	snop  }
__scs_overlays_trampoline_lowered:
0x8: {  	[smem:$0x3FAA] =	sst s0  }
0x9: {  	[smem:$0x3FAB] =	sst s1  }
0xa: {  	[smem:$0x3FAC] =	sst s2  }
0xb: {  	[smem:$0x3FAD] =	sst s3  }
0xc: {  	[smem:$0x3FAE] =	sst s4  }
0xd: {  	[smem:$0x3FAF] =	sst s5  }
0xe: {  	[smem:$0x3FB0] =	sst s6  }
0xf: {  	[smem:$0x3FB1] =	sst s7  }
0x10: {  	[smem:$0x3FB2] =	sst s8  }
0x11: {  	[smem:$0x3FB3] =	sst s9;
	s0 =	simm.s32 @!p0 $0x0  }
0x12: {  	s1 =	sld [smem:$0x3F99];
	s0 =	simm.s32 @p0 $0x1  }
0x13: {  	[smem:$0x3FB4] =	sst s0;
	s0 =	simm.s32 @!p1 $0x0  }
0x14: {  	s2 =	sld [smem:$0x3F98];
	s0 =	simm.s32 @p1 $0x1  }
0x15: {  	[smem:$0x3FB5] =	sst s0;
	s0 =	simm.s32 @!p2 $0x0  }
0x16: {  	s3 =	sld [smem:$0x3FDB];
	s0 =	simm.s32 @p2 $0x1  }
0x17: {  	s4 =	simm.s32 $0x1BF5;
	[smem:$0x3FB7] =	sst s0  }
0x18: {  	s0 =	sld [smem:$0x3F9A];
	_ =	swait.ge [sflag:s4], $0x0  }
0x19: {  	s7 =	sld [smem:$0x3F9B]  }
0x1a: {  	s8 =	sadd.s32 $0xFFFFE003, lr  }
0x1b: {  	s9 =	sadd.s32 $0xFFFFFEF7, lr;
	s5 =	simm.s32 $0xFFFFFFFF;
	p2 =	slt.u32 s8, $0xFFFFF086  }
0x1c: {  	p1 =	slt.u32 s9, $0xF7A;
	s5 =	simm.s32 @!p2 $0x0  }
0x1d: {  	s5 =	simm.s32 @p1 $0x1;
	p0 =	seq.s32 s7, s2  }
0x1e: {  	s7 =	smul.u32 @!p0 $0xF7A, s2;
	p2 =	seq.s32 @!p0 s5, $0x0  }
0x1f: {  	s9 =	smul.u32 $0xF7A, s1;
	s8 =	simm.s32 @!p0 $0x1BF5;
	p2 =	por !p2, p0  }
0x20: {  	[sflag:s8] =	ssyncset.s32 @!p0 $0xFFFFF086;
	s6 =	sadd.s32 @!p0 s3, s7;
	s7 =	simm.s32 @!p0 $0x108  }
0x21: {  	s3 =	sadd.s32 s3, s9;
	s6 =	sadd.s32 @!p0 $0x88, s6;
	s7 =	simm.s32 @p2 $0x1082  }
0x22: {  	[simem:s7], [sflag:s8] =	dma.local @!p0 [hbm:s6], $0xF7A  }
0x23: {  	s9 =	sor.u32 $0xD0000000, s2;
	s6 =	simm.s32 $0x108;
	_ =	swait.ge @!p0 [sflag:s8], $0x0  }
0x24: {  	s3 =	sadd.s32 $0x88, s3;
	s6 =	simm.s32 @!p1 $0x1082;
	[sflag:s4] =	ssyncset.s32 $0xFFFFF086  }
0x25: {  	[simem:s6], [sflag:s4] =	dma.local [hbm:s3], $0xF7A  }
0x26: {  	[smem:$0x3F9B] =	sst s1;
	(tag) =	ssettag s2;
	_ =	strace s9  }
0x27: {  	s1 =	sld [smem:$0x3FAB]  }
0x28: {  	s2 =	sld [smem:$0x3FAC]  }
0x29: {  	s4 =	sld [smem:$0x3FAE]  }
0x2a: {  	p0 =	seq.s32 s5, $0x0;
	s5 =	sld [smem:$0x3FAF]  }
0x2b: {  	s6 =	sld [smem:$0x3FB0]  }
0x2c: {  	s7 =	sld [smem:$0x3FB1]  }
0x2d: {  	s3 =	simm.s32 $0x108;
	s8 =	sld [smem:$0x3FB2]  }
0x2e: {  	s3 =	simm.s32 @!p0 $0x1082;
	s9 =	sld [smem:$0x3FB3]  }
0x2f: {  	lr =	sadd.s32 s0, s3;
	s0 =	sld [smem:$0x3FAA]  }
0x30: {  	s3 =	sld [smem:$0x3FAD]  }
0x31: {  	[smem:$0x3FB6] =	sst s10  }
0x32: {  	s10 =	sld [smem:$0x3FB4];
	_ =	sdelay $0x3  }
0x33: {  	p0 =	seq.s32 s10, $0x1;
	s10 =	sld [smem:$0x3FB6];
	_ =	sdelay $0x3  }
0x34: {  	[smem:$0x3FB6] =	sst s10  }
0x35: {  	s10 =	sld [smem:$0x3FB5];
	_ =	sdelay $0x3  }
0x36: {  	p1 =	seq.s32 s10, $0x1;
	s10 =	sld [smem:$0x3FB6];
	_ =	sdelay $0x3  }
0x37: {  	[smem:$0x3FB6] =	sst s10  }
0x38: {  	s10 =	sld [smem:$0x3FB7]  }
0x39: {  	_ = 	snop;
	(pc) =	sbr.ind lr, $3  }
0x3a: {  	_ = 	snop  }
0x3b: {  	_ = 	snop  }
0x3c: {  	p2 =	seq.s32 s10, $0x1;
	s10 =	sld [smem:$0x3FB6]  }
0x3d: {  	_ =	shalt  }
0x3e: {  	_ =	shalt  }
0x3f: {  	_ =	shalt  }
0x40: {  	_ =	shalt  }
0x41: {  	_ =	shalt  }
0x42: {  	_ =	shalt  }
0x43: {  	_ =	shalt  }
0x44: {  	_ =	shalt  }
0x45: {  	_ =	shalt  }
0x46: {  	_ =	shalt  }
0x47: {  	_ =	shalt  }
0x48: {  	_ =	shalt  }
0x49: {  	_ =	shalt  }
0x4a: {  	_ =	shalt  }
0x4b: {  	_ =	shalt  }
0x4c: {  	_ =	shalt  }
0x4d: {  	_ =	shalt  }
0x4e: {  	_ =	shalt  }
0x4f: {  	_ =	shalt  }
0x50: {  	_ =	shalt  }
0x51: {  	_ =	shalt  }
0x52: {  	_ =	shalt  }
0x53: {  	_ =	shalt  }
0x54: {  	_ =	shalt  }
0x55: {  	_ =	shalt  }
0x56: {  	_ =	shalt  }
0x57: {  	_ =	shalt  }
0x58: {  	_ =	shalt  }
0x59: {  	_ =	shalt  }
0x5a: {  	_ =	shalt  }
0x5b: {  	_ =	shalt  }
0x5c: {  	_ =	shalt  }
0x5d: {  	_ =	shalt  }
0x5e: {  	_ =	shalt  }
0x5f: {  	_ =	shalt  }
0x60: {  	_ =	shalt  }
0x61: {  	_ =	shalt  }
0x62: {  	_ =	shalt  }
0x63: {  	_ =	shalt  }
0x64: {  	_ =	shalt  }
0x65: {  	_ =	shalt  }
0x66: {  	_ =	shalt  }
0x67: {  	_ =	shalt  }
0x68: {  	_ =	shalt  }
0x69: {  	_ =	shalt  }
0x6a: {  	_ =	shalt  }
0x6b: {  	_ =	shalt  }
0x6c: {  	_ =	shalt  }
0x6d: {  	_ =	shalt  }
0x6e: {  	_ =	shalt  }
0x6f: {  	_ =	shalt  }
0x70: {  	_ =	shalt  }
0x71: {  	_ =	shalt  }
0x72: {  	_ =	shalt  }
0x73: {  	_ =	shalt  }
0x74: {  	_ =	shalt  }
0x75: {  	_ =	shalt  }
0x76: {  	_ =	shalt  }
0x77: {  	_ =	shalt  }
0x78: {  	_ =	shalt  }
0x79: {  	_ =	shalt  }
0x7a: {  	_ =	shalt  }
0x7b: {  	_ =	shalt  }
0x7c: {  	_ =	shalt  }
0x7d: {  	_ =	shalt  }
0x7e: {  	_ =	shalt  }
0x7f: {  	_ =	shalt  }
0x80: {  	_ =	shalt  }
0x81: {  	_ =	shalt  }
0x82: {  	_ =	shalt  }
0x83: {  	_ =	shalt  }
0x84: {  	_ =	shalt  }
0x85: {  	_ =	shalt  }
0x86: {  	_ =	shalt  }
0x87: {  	_ =	shalt  }
.Lfunc_end0:
.L_simem_size_0:
called_computation_lowered:
.L_overlay_start_0:
0x88: {  	s2 =	sld [smem:$0x3FD9]  }
0x89: {  	s3 =	sld [smem:$0x3FFE];
	_ =	sdelay $0x1  }
0x8a: {  	s1 =	srdreg.scid  }
0x8b: {  	s0 =	sand.u32 $0x1, s1  }
0x8c: {  	s14 =	sshll.u32 s0, $0xA;
	s2 =	sadd.s32 s3, s2  }
0x8d: {  	s2 =	sadd.s32 s2, s14  }
0x8e: {  	[smem:$0x3FC2] =	sst s2  }
0x8f: {  	_ = 	snop  }
0x90: {  	s2 =	sld [smem:$0x3FD0];
	_ =	sdelay $0x2  }
0x91: {  	s15 =	simm.s32 $0xA;
	s4 =	simm.s32 $0x10  }
0x92: {  	[smem:s4], [sflag:s15] =	dma.local [hbm:s2], $0x1  }
0x93: {  	_ =	swait.eq [sflag:s15], $0x1  }
0x94: {  	[sflag:s15] =	ssyncset.done $0x0  }
0x95: {  	s16 =	sld [smem:$0x10];
	[sflag:s15] =	ssyncadd.s32 $0xFFFFFFFF  }
0x96: {  	s17 =	sld [smem:$0x11];
	(tm) =	ssettm $0x1  }
0x97: {  	s18 =	sld [smem:$0x3FFB];
	_ =	sdelay $0x3  }
0x98: {  	_ =	strace s18  }
0x99: {  	s4 =	sld [smem:$0x3FFC];
	_ =	sdelay $0x3  }
0x9a: {  	_ =	strace s4  }
0x9b: {  	s4 =	sld [smem:$0x3FFD];
	_ =	sdelay $0x3  }
0x9c: {  	_ =	strace s4  }
0x9d: {  	_ =	strace $0x8FFFFFFF  }
0x9e: {  	s19 =	sld [smem:$0x3FDB];
	_ =	sdelay $0x1  }
0x9f: {  	s5 =	simm.s32 $_scs_section_size  }
0xa0: {  	s6 =	simm.s32 $_size__tile_overlayer_lowered;
	s7 =	simm.s32 $_tile_overlayer_lowered  }
0xa1: {  	s22 =	simm.s32 $0x1BFF;
	s21 =	sshll.u32 s7, $0x1;
	s4 =	sadd.s32 s5, s19  }
0xa2: {  	s8 =	simm.s32 $0x0;
	s20 =	sshll.u32 s6, $0x1;
	s6 =	sadd.s32 s21, s4  }
0xa3: {  	[timem:s8], [sflag:s22] =	dma.local [hbm:s6], s20  }
0xa4: {  	_ =	swait.ge [sflag:s22], s20  }
0xa5: {  	s5 =	ssub.s32 $0x0, s20;
	[sflag:s22] =	ssyncset.done $0x0  }
0xa6: {  	[sflag:s22] =	ssyncadd.s32 s5;
	_ =	sdelay $0x1  }
0xa7: {  	s23 =	simm.s32 $0x1B8B  }
0xa8: {  	_ =	swait.ge [sflag:s23], $0x1  }
0xa9: {  	[sflag:s23] =	ssyncset.done $0x0  }
0xaa: {  	s25 =	simm.s32 $0x1B8E;
	s24 =	sld [smem:$0x3FFE];
	[sflag:s23] =	ssyncadd.s32 $0xFFFFFFFF  }
0xab: {  	s26 =	simm.s32 $execute0_lowered;
	[smem:$0x3FD2] =	sst s25  }
0xac: {  	s6 =	sshll.u32 s26, $0x1;
	_ =	strace $0x80000046;
	[dreg:$0x1] =	wrdreg $0xFFFFFFFF  }
0xad: {  	s28 =	simm.s32 $_size_execute0_lowered;
	s4 =	sadd.s32 s4, s6;
	[dreg:$0x0] =	wrdreg $0x0  }
0xae: {  	s6 =	sshll.u32 s28, $0x1;
	[dreg:$0x2] =	wrdreg s4  }
0xaf: {  	[dreg:$0x3] =	wrdreg s6  }
0xb0: {  	[dreg:$0x4] =	wrdreg $0xC0  }
0xb1: {  	_ =	task [dreg:s8], $0x5FFFF  }
0xb2: {  	[dreg:$0x1] =	wrdreg $0xFFFFFFFF  }
0xb3: {  	[dreg:$0x0] =	wrdreg $0x60  }
0xb4: {  	[dreg:$0x2] =	wrdreg s17  }
0xb5: {  	[dreg:$0x3] =	wrdreg s24  }
0xb6: {  	[dreg:$0x4] =	wrdreg s16  }
0xb7: {  	[dreg:$0x5] =	wrdreg $0x9  }
0xb8: {  	_ =	task.clear_ibuf [dreg:s8], $0x6FFFF;
	_ =	strace $0x90000046  }
0xb9: {  	s29 =	simm.s32 $0x9;
	_ =	strace $0x80000048  }
0xba: {  	_ =	swait.ge [sflag:s29], $0x1  }
0xbb: {  	[sflag:s29] =	ssyncadd.s32 $0xFFFFFFFF  }
0xbc: {  	_ =	strace $0x90000048  }
0xbd: {  	_ =	sfence  }
0xbe: {  	s30 =	sld [smem:$0x0];
	_ =	sdelay $0x2  }
0xbf: {  	s31 =	sshll.u32 s1, $0xD;
	s1 =	sshrl.u32 s1, $0x2  }
0xc0: {  	s3 =	sand.u32 $0x4000, s31;
	s1 =	sadd.s32 s1, s30  }
0xc1: {  	s0 =	sor.u32 s3, s0;
	s1 =	sshll.u32 s1, $0x11  }
0xc2: {  	s0 =	sor.u32 s1, s0  }
0xc3: {  	s0 =	sadd.s32 $0x8F2B, s0  }
0xc4: {  	[sflag:s0] =	ssyncadd.remote.s32 $0x1  }
0xc5: {  	_ =	sfence.sel $0xFFFF  }
0xc6: {  	[dreg:$0x0] =	wrdreg $0xFFFFFFFF;
	(pc) =	sbr.abs _section_cstart, $3  }
0xc7: {  	[dreg:$0x1] =	wrdreg $0xFFFFFFFF  }
0xc8: {  	_ =	task.clear_ibuf [dreg:s8], $0x2FFFF;
	_ =	strace $0x9FFFFFFF  }
0xc9: {  	(tm) =	ssettm $0x7FFFFFFF  }
tec
execute0_lowered:
.L_overlay_start_1:
0x0: {  	(tag) =	ssettag $0x1  }
0x1: {  	s4 =	rddreg [dreg:$0x0]  }
0x2: {  	s3 =	rddreg [dreg:$0x1]  }
0x3: {  	s5 =	rddreg [dreg:$0x2]  }
0x4: {  	s0 =	rddreg [dreg:$0x3];
	s2 =	simm.s32 $0x0;
	s6 =	srdreg.scid  }
0x5: {  	s1 =	stileid.u32;
	s10 =	simm.s32 $0x800;
	s11 =	simm.s32 $0x10000  }
0x6: {  	s12 =	simm.s32 $0xE40;
	s13 =	simm.s32 $0x0;
	[smem:$0x7FF] =	sst s2  }
0x7: {  	s6 =	sand.u32 $0x1, s6;
	s8 =	sshll.u32 s1, $0x9;
	s3 =	sadd.s32 $0x187A00, s3  }
0x8: {  	s7 =	ssub.s32 $0x2, s6;
	s6 =	sshll.u32 s6, $0x8;
	_ =	strace $0x80000047  }
0x9: {  	s9 =	sshrl.u32 s7, $0x1;
	s6 =	sor.u32 s6, s8;
	s8 =	simm.s32 $0x20  }
0xa: {  	v0 =	vlaneseq.u32;
	s7 =	ssub.s32 s7, s9;
	s4 =	sadd.s32 s4, s6;
	s5 =	sadd.s32 s5, s6  }
0xb: {  	v0 =	vmul.u32 $0x40, v0;
	s9 =	simm.s32 $0x1;
	s6 =	smax.u32 s7, $0x1;
	s7 =	simm.s32 $0x2  }
.LBB2_1:
0xc: {  	v1 =	vmov s2  }
0xd: {  	v2 =	vshll.u32 v1, $0x6  }
0xe: {  	v2 =	vor.u32 v0, v2  }
0xf: {  	v1 =	vshrl.u32 v1, $0x5;
	v2 =	vand.u32 $0x7C0, v2  }
0x10: {  	s14 =	simm.s32 $0x10;
	v1 =	vor.u32 v1, v2  }
0x11: {  	[tilespmem:s2], [sflag:$0x2] =	stream.linear.gather [hbm4b:s4+s2], $0x800, $0x38;
	[tilespmem:$0x19E40] =	vst v63  }
0x12: {  	_ =	swait.ge [sflag:s7], $0x800;
	v2 =	vmov s14  }
0x13: {  	[sflag:s7] =	ssyncset.done $0x0;
	v3 =	vshll.u32 v2, $0x6  }
0x14: {  	[sflag:s7] =	ssyncadd.s32 $0xFFFFF800;
	v3 =	vor.u32 v0, v3  }
0x15: {  	v2 =	vshrl.u32 v2, $0x5;
	v3 =	vand.u32 $0x7C0, v3;
	v1 =	vld.idx.msk [tilespmem:v1+s2+$0x0], $0xffff  }
0x16: {  	v2 =	vor.u32 v2, v3;
	_ =	sdelay $0x1  }
0x17: {  	s31 =	simm.s32 $0x20  }
0x18: {  	s16 =	simm.s32 $0x30;
	s14 =	simm.s32 $0x800;
	v3 =	vmov s31  }
.LBB2_2:
0x19: {  	p0 =	sne.s32 s16, $0x630;
	v4 =	vshll.u32 v3, $0x6;
	s15 =	simm.s32 $0x0;
	[tilespmem:s14+$0x0] =	vst v1  }
0x1a: {  	v4 =	vor.u32 v0, v4;
	v1 =	vld.idx.msk [tilespmem:v2+s15+$0x0], $0xffff  }
.Ltmp0:
0x1b: {  	v2 =	vshrl.u32 v3, $0x5;
	v3 =	vand.u32 $0x7C0, v4;
	(pc) =	sbr.rel @p0 .LBB2_2-.Ltmp0, $2  }
0x1c: {  	v2 =	vor.u32 v2, v3;
	_ =	sdelay $0x2  }
0x1d: {  	s14 =	sadd.s32 $0x10, s14;
	v3 =	vmov s16;
	s16 =	sadd.s32 $0x10, s16  }
0x1e: {  	_ =	sdelay $0x1  }
0x1f: {  	v4 =	vshll.u32 v3, $0x6  }
0x20: {  	[tilespmem:s14+$0x0] =	vst v1;
	v1 =	vor.u32 v0, v4  }
0x21: {  	v3 =	vshrl.u32 v3, $0x5;
	v2 =	vld.idx.msk [tilespmem:v2+s15+$0x0], $0xffff;
	v1 =	vand.u32 $0x7C0, v1  }
0x22: {  	v1 =	vor.u32 v3, v1;
	_ =	sdelay $0x2  }
0x23: {  	s30 =	sadd.s32 $0x10, s14  }
0x24: {  	[tilespmem:s30+$0x0] =	vst v2  }
0x25: {  	v1 =	vld.idx.msk [tilespmem:v1+s15+$0x0], $0xffff  }
0x26: {  	p0 =	por $0x1, $0x1  }
.Ltmp1:
0x27: {  	_ = 	snop;
	(pc) =	sbr.rel @!p0 .LBB2_5-.Ltmp1, $4  }
0x28: {  	_ = 	snop  }
0x29: {  	s14 =	sadd.s32 $0x10, s30  }
0x2a: {  	s31 =	simm.s32 $0x800;
	s15 =	simm.s32 $0x80;
	[tilespmem:s14+$0x0] =	vst v1;
	s14 =	simm.s32 $0xE40  }
0x2b: {  	[tilespmem:s14], [sflag:$0x1] =	stream.indirect.gather [hbm4b:s3+s8], $0x40, s31, s8, $0xb8;
	[tilespmem:$0x19E40] =	vst v63  }
.LBB2_4:
0x2c: {  	p0 =	sne.s32 s15, $0x1880  }
.Ltmp2:
0x2d: {  	_ = 	snop;
	(pc) =	sbr.rel @p0 .LBB2_4-.Ltmp2, $4  }
0x2e: {  	_ = 	snop  }
0x2f: {  	s16 =	sshra.s32 s15, $0x2;
	s15 =	sadd.s32 $0x80, s15  }
0x30: {  	s14 =	sadd.s32 $0x800, s14;
	s16 =	sadd.s32 $0x800, s16  }
0x31: {  	[tilespmem:s14], [sflag:$0x1] =	stream.indirect.gather [hbm4b:s3+s8], $0x40, s16, s8, $0xb8;
	[tilespmem:$0x19E40] =	vst v63  }
.LBB2_5:
0x32: {  	_ =	swait.ge [sflag:s9], $0x19000;
	s13 =	sadd.s32 $0x1, s13  }
0x33: {  	[sflag:s9] =	ssyncset.done $0x0;
	p0 =	sne.s32 s13, s6  }
.Ltmp3:
0x34: {  	[sflag:s9] =	ssyncadd.s32 $0xFFFE7000;
	(pc) =	sbr.rel @p0 .LBB2_1-.Ltmp3, $4  }
0x35: {  	[hbm4b:s5+s10] =	stream.strided.scatter [tilespmem:s12], [sflag:$0x2], $0x19000, s11, s10, $0x38;
	[tilespmem:$0x19E40] =	vst v63  }
0x36: {  	_ =	swait.ge [sflag:s7], $0x19000  }
0x37: {  	[sflag:s7] =	ssyncset.done $0x0  }
0x38: {  	[sflag:s7] =	ssyncadd.s32 $0xFFFE7000  }
0x39: {  	_ =	sfence.sel $0x180000  }
0x3a: {  	[bflag:$0x0] =	sbarrier.arrive $0xFFFF  }
0x3b: {  	p0 =	sne.s32 s1, $0x0;
	_ =	strace $0x90000047  }
0x3c: {  	s0 =	sadd.s32 @!p0 $0x100000, s0;
	[bflag:$0x2] =	sbarrier.arrive $0xFFFF  }
0x3d: {  	[sflag:s0] =	ssyncadd.tile.s32 @!p0 $0x1;
	_ =	shalt  }
.Lfunc_end2:
_tile_overlayer_lowered:
.L_overlay_start_2:
0x3e: {  	(tag) =	ssettag $0x2  }
0x3f: {  	s0 =	rddreg [dreg:$0x0];
	s2 =	stileid.u32  }
0x40: {  	s1 =	rddreg [dreg:$0x1];
	p0 =	sne.s32 s2, $0x0  }
0x41: {  	s3 =	rddreg [dreg:$0x2];
	[bflag:$0x3] =	sbarrier.arrive $0xFFFF;
	s2 =	simm.s32 @!p0 $0x1C02  }
0x42: {  	[timem:s3], [sflag:s2] =	dma.local @!p0 [hbm:s0], s1  }
0x43: {  	s0 =	simm.s32 @!p0 $0x2  }
0x44: {  	_ =	swait.ge @!p0 [sflag:s0], s1  }
0x45: {  	s1 =	ssub.s32 @!p0 $0x0, s1;
	[sflag:s0] =	ssyncset.done @!p0 $0x0  }
0x46: {  	[sflag:s0] =	ssyncadd.s32 @!p0 s1  }
0x47: {  	[bflag:$0x3] =	sbarrier.arrive $0xFFFF  }
0x48: {  	_ =	shalt  }

</sc_bundles>
